<compile_context>
chip_gen: v7x
topology: tpu7x:2x2x1
jax: 0.10.2.dev20260603
libtpu: 0.0.44.dev20260713+nightly
codegen_flags: <defaults>
</compile_context>

<pallas_src>
import functools
import math

import jax
import jax.numpy as jnp
import numpy as np
from jax import lax
from jax.experimental import pallas as pl
from jax.experimental.pallas import tpu as pltpu
from jax.experimental.pallas import tpu_sc as plsc

_H = 32
_W = 32
_C = 96
_C8 = 8 * _C
_P = _H * _W


def _build_maps():
    center = (_H - 1) / 2.0
    learnable = []
    for i in range(_H):
        for j in range(_W):
            y = center - i
            x = j - center
            if x == 0 and y == 0:
                learnable.append((i, j))
            else:
                ang = math.atan2(y, x)
                if ang < 0:
                    ang += 2 * math.pi
                if 0 <= ang <= math.pi / 4 + 1e-06:
                    learnable.append((i, j))
    src = -np.ones(_P, dtype=np.int64)
    rot = np.zeros(_P, dtype=np.int64)
    for idx, (i, j) in enumerate(learnable):
        for k in range(8):
            y = center - i
            x = j - center
            theta = k * math.pi / 4
            cos_t = math.cos(theta)
            sin_t = math.sin(theta)
            x_new = cos_t * x - sin_t * y
            y_new = sin_t * x + cos_t * y
            i_r = int(round(center - y_new))
            j_r = int(round(center + x_new))
            i_r = max(0, min(_H - 1, i_r))
            j_r = max(0, min(_W - 1, j_r))
            p = i_r * _W + j_r
            src[p] = idx
            rot[p] = k
    mask = src >= 0
    src = np.where(mask, src, 0)
    return len(learnable), src, rot, mask


_NL, _SRC, _ROT, _MASK = _build_maps()

_SC_NC = 2
_SC_NS = 16
_SC_NW = _SC_NC * _SC_NS
_GB = 8448
_BPW = _GB // _SC_NW
_NCHK = 3
_CHK = _BPW // _NCHK


def _build_gather_idx():
    zero_row = 1 + 8 * _NL
    idx = np.full((_GB,), zero_row, dtype=np.int32)
    idx[0:8] = 0
    n = np.arange(8)
    perm = (n[None, :] - _ROT[:, None]) % 8
    flat = 1 + 8 * _SRC[:, None] + perm
    flat = np.where(_MASK[:, None], flat, zero_row)
    idx[8 : 8 + 8 * _P] = flat.reshape(-1)
    return idx.reshape(_SC_NW, _NCHK, _CHK)


_GIDX = _build_gather_idx()


def _sc_gather_body(table_hbm, idx_hbm, out_hbm, idx_v, rows_v, sem):
    wid = lax.axis_index("s") * _SC_NC + lax.axis_index("c")
    base = wid * _BPW
    pltpu.sync_copy(idx_hbm.at[wid], idx_v)
    copies = [
        pltpu.async_copy(
            table_hbm.at[idx_v.at[j]], rows_v.at[pl.ds(j * _CHK, _CHK)], sem
        )
        for j in range(_NCHK)
    ]
    for c in copies:
        c.wait()
    pltpu.sync_copy(rows_v, out_hbm.at[pl.ds(base, _BPW)])


def _sc_gather(table, gidx):
    mesh = plsc.VectorSubcoreMesh(core_axis_name="c", subcore_axis_name="s")
    k = pl.kernel(
        _sc_gather_body,
        mesh=mesh,
        out_type=jax.ShapeDtypeStruct((_GB, 128), jnp.float32),
        scratch_types=[
            pltpu.VMEM((_NCHK, _CHK), jnp.int32),
            pltpu.VMEM((_BPW, 128), jnp.float32),
            pltpu.SemaphoreType.DMA,
        ],
    )
    return k(table, gidx)


_RBLK = 32


def _add_body(g_ref, x_ref, o_ref):
    o_ref[...] = x_ref[...] + g_ref[...][:, None, :]


@jax.jit
def kernel(x, pos_embed_learnable, cls_pos_eighth):
    B = x.shape[0]
    pe = pos_embed_learnable[0]
    cls = cls_pos_eighth[0]
    table = jnp.concatenate(
        [cls, pe.reshape(8 * _NL, _C), jnp.zeros((1, _C), jnp.float32)], axis=0
    )
    table = jnp.pad(table, ((0, 0), (0, 128 - _C)))
    flat_grid = _sc_gather(table, jnp.asarray(_GIDX))
    full_grid = flat_grid[:, :_C].reshape(_GB // 8, _C8)
    xt = jnp.transpose(x, (1, 0, 2))
    nblk = (1 + _P + _RBLK - 1) // _RBLK
    out_t = pl.pallas_call(
        _add_body,
        grid=(nblk,),
        in_specs=[
            pl.BlockSpec((_RBLK, _C8), lambda i: (i, 0)),
            pl.BlockSpec((_RBLK, B, _C8), lambda i: (i, 0, 0)),
        ],
        out_specs=pl.BlockSpec((_RBLK, B, _C8), lambda i: (i, 0, 0)),
        out_shape=jax.ShapeDtypeStruct(xt.shape, x.dtype),
    )(full_grid, xt)
    return jnp.transpose(out_t, (1, 0, 2))

# --- scband reference (transcript-rebuilt; emitter-appended) ---
"""Pipeline reference for scband-rotation45-symmetric-pos-embed-77781857731047 (READ-ONLY COPY).

The authoritative reference and input builder live on the scoring server;
editing this copy changes nothing except your own understanding.
"""

import jax, jax.numpy as jnp
import numpy as np
import math

H = 32
W = 32
C = 96
C8 = 8 * C
NUM_PATCHES = H * W


def _mappings():
    center = (H - 1) / 2.0
    learnable = []
    for i in range(H):
        for j in range(W):
            y = center - i
            x = j - center
            if x == 0 and y == 0:
                learnable.append((i, j))
            else:
                ang = math.atan2(y, x)
                if ang < 0:
                    ang += 2 * math.pi
                if 0 <= ang <= math.pi / 4 + 1e-06:
                    learnable.append((i, j))
    src = -np.ones(H * W, dtype=np.int64)
    rot = np.zeros(H * W, dtype=np.int64)
    for idx, (i, j) in enumerate(learnable):
        for k in range(8):
            y = center - i
            x = j - center
            theta = k * math.pi / 4
            cos_t = math.cos(theta)
            sin_t = math.sin(theta)
            x_new = cos_t * x - sin_t * y
            y_new = sin_t * x + cos_t * y
            i_r = int(round(center - y_new))
            j_r = int(round(center + x_new))
            i_r = max(0, min(H - 1, i_r))
            j_r = max(0, min(W - 1, j_r))
            p = i_r * W + j_r
            src[p] = idx
            rot[p] = k
    mask = (src >= 0)
    src = np.where(mask, src, 0)
    return len(learnable), src, rot, mask

NUM_LEARNABLE, SRC, ROT, MASK = _mappings()


def setup_inputs(seed: int = 0) -> dict:
    key = jax.random.key(seed)
    k1, k2, k3 = jax.random.split(key, 3)
    x = jax.random.normal(k1, (64, 1 + NUM_PATCHES, C8), dtype=jnp.float32)
    pos_embed_learnable = jax.random.normal(k2, (1, NUM_LEARNABLE, C8), dtype=jnp.float32) * 0.02
    cls_pos_eighth = jax.random.normal(k3, (1, 1, C), dtype=jnp.float32)
    return {"x": x, "pos_embed_learnable": pos_embed_learnable, "cls_pos_eighth": cls_pos_eighth}


def reference(x, pos_embed_learnable, cls_pos_eighth):
    # Recreate _create_rotation_grid: last-write-wins scatter precomputed as (SRC, ROT, MASK)
    pe = pos_embed_learnable[0].reshape(NUM_LEARNABLE, 8, C)
    blocks = pe[jnp.asarray(SRC)]  # [P, 8, C] gather of source wedge embeddings
    n = np.arange(8)
    perm = (n[None, :] - ROT[:, None]) % 8  # output block n takes input block (n-k)%8
    grid = jnp.take_along_axis(blocks, jnp.asarray(perm)[:, :, None], axis=1)
    grid = grid.reshape(H * W, C8)
    grid = jnp.where(jnp.asarray(MASK)[:, None], grid, jnp.zeros_like(grid))
    pos_embed_patches = grid[None]  # [1, P, 8C]
    cls_pos = jnp.concatenate([cls_pos_eighth] * 8, axis=-1)  # [1, 1, 8C]
    full_pos_embed = jnp.concatenate([cls_pos, pos_embed_patches], axis=1)
    return x + full_pos_embed

if __name__ == "__main__":
    import jax
    _d = setup_inputs()
    print(jax.jit(kernel)(*tuple(_d.values())))

</pallas_src>

<mosaic_0001>
#map = affine_map<(d0, d1) -> (0, 0)>
#map1 = affine_map<(d0, d1) -> (0, 0, 0)>
module attributes {stable_mosaic.version = 14 : i64} {
  func.func @_sc_gather_body(%arg0: i32, %arg1: i32, %arg2: memref<1090x128xf32, #tpu.memory_space<hbm>>, %arg3: memref<32x3x88xi32, #tpu.memory_space<hbm>>, %arg4: memref<8448x128xf32, #tpu.memory_space<hbm>>, %arg5: memref<3x88xi32, #tpu.memory_space<vmem>>, %arg6: memref<264x128xf32, #tpu.memory_space<vmem>>, %arg7: memref<!tpu.dma_semaphore, #tpu.memory_space<semaphore_mem>>) attributes {dimension_semantics = [#tpu.dimension_semantics<core_parallel>, #tpu.dimension_semantics<subcore_parallel>], iteration_bounds = array<i64: 2, 16>, scalar_prefetch = 0 : i64, scratch_operands = 3 : i64, tpu.core_type = #tpu.core_type<sc_vector_subcore>, window_params = [{transform_indices = #map}, {transform_indices = #map1}, {transform_indices = #map}]} {
    %mul3A = arith.constant 2 : i32
    %mul3A_0 = arith.muli %arg1, %mul3A : i32
    %add3A = arith.addi %mul3A_0, %arg0 : i32
    %mul3A_1 = arith.constant 264 : i32
    %mul3A_2 = arith.muli %add3A, %mul3A_1 : i32
    "tpu.region"() ({
      %run_scoped3A = tpu.sem_alloc : memref<!tpu.dma_semaphore, #tpu.memory_space<semaphore_mem>>
      %dma_start3A_61 = arith.constant 0 : i32
      %dma_start3A_62 = arith.constant 0 : i32
      %dma_start3A_63 = tpu.memref_slice %arg3[%add3A, %dma_start3A_61, %dma_start3A_62] : memref<32x3x88xi32, #tpu.memory_space<hbm>> -> memref<1x3x88xi32, #tpu.memory_space<hbm>>
      %dma_start3A_64 = tpu.memref_squeeze %dma_start3A_63 : memref<1x3x88xi32, #tpu.memory_space<hbm>> -> memref<3x88xi32, #tpu.memory_space<hbm>>
      %dma_start3A_65 = arith.constant 0 : i32
      %dma_start3A_66 = arith.constant 0 : i32
      %dma_start3A_67 = tpu.memref_slice %arg3[%add3A, %dma_start3A_65, %dma_start3A_66] : memref<32x3x88xi32, #tpu.memory_space<hbm>> -> memref<1x3x88xi32, #tpu.memory_space<hbm>>
      %dma_start3A_68 = tpu.memref_squeeze %dma_start3A_67 : memref<1x3x88xi32, #tpu.memory_space<hbm>> -> memref<3x88xi32, #tpu.memory_space<hbm>>
      tpu.enqueue_dma source(%dma_start3A_68 : memref<3x88xi32, #tpu.memory_space<hbm>>) target(%arg5 : memref<3x88xi32, #tpu.memory_space<vmem>>) target_semaphore(%run_scoped3A : memref<!tpu.dma_semaphore, #tpu.memory_space<semaphore_mem>>)
      %dma_wait3A_69 = arith.constant 0 : i32
      %dma_wait3A_70 = arith.constant 0 : i32
      %dma_wait3A_71 = tpu.memref_slice %arg3[%add3A, %dma_wait3A_69, %dma_wait3A_70] : memref<32x3x88xi32, #tpu.memory_space<hbm>> -> memref<1x3x88xi32, #tpu.memory_space<hbm>>
      %dma_wait3A_72 = tpu.memref_squeeze %dma_wait3A_71 : memref<1x3x88xi32, #tpu.memory_space<hbm>> -> memref<3x88xi32, #tpu.memory_space<hbm>>
      %dma_wait3A_73 = arith.constant 0 : i32
      %dma_wait3A_74 = arith.constant 0 : i32
      %dma_wait3A_75 = tpu.memref_slice %arg3[%add3A, %dma_wait3A_73, %dma_wait3A_74] : memref<32x3x88xi32, #tpu.memory_space<hbm>> -> memref<1x3x88xi32, #tpu.memory_space<hbm>>
      %dma_wait3A_76 = tpu.memref_squeeze %dma_wait3A_75 : memref<1x3x88xi32, #tpu.memory_space<hbm>> -> memref<3x88xi32, #tpu.memory_space<hbm>>
      tpu.wait_dma2 semaphore(%run_scoped3A : memref<!tpu.dma_semaphore, #tpu.memory_space<semaphore_mem>>) src(%dma_wait3A_76 : memref<3x88xi32, #tpu.memory_space<hbm>>) dst(%arg5 : memref<3x88xi32, #tpu.memory_space<vmem>>)
      tpu.yield
    }) : () -> ()
    %dma_start3A = arith.constant 0 : i32
    %dma_start3A_3 = arith.constant 0 : i32
    %dma_start3A_4 = arith.constant 0 : i32
    %dma_start3A_5 = tpu.memref_slice %arg6[%dma_start3A_3, %dma_start3A_4] : memref<264x128xf32, #tpu.memory_space<vmem>> -> memref<88x128xf32, #tpu.memory_space<vmem>>
    %dma_start3A_6 = arith.constant 0 : i32
    %dma_start3A_7 = tpu.memref_slice %arg5[%dma_start3A, %dma_start3A_6] : memref<3x88xi32, #tpu.memory_space<vmem>> -> memref<1x88xi32, #tpu.memory_space<vmem>>
    %dma_start3A_8 = tpu.memref_squeeze %dma_start3A_7 : memref<1x88xi32, #tpu.memory_space<vmem>> -> memref<88xi32, #tpu.memory_space<vmem>>
    %dma_start3A_9 = arith.constant 0 : i32
    %dma_start3A_10 = arith.constant 0 : i32
    %dma_start3A_11 = tpu.memref_slice %arg2[%dma_start3A_9, %dma_start3A_10] : memref<1090x128xf32, #tpu.memory_space<hbm>> -> memref<1090x128xf32, #tpu.memory_space<hbm>>
    tpu.enqueue_indirect_dma source(%dma_start3A_11 : memref<1090x128xf32, #tpu.memory_space<hbm>>) target(%dma_start3A_5 : memref<88x128xf32, #tpu.memory_space<vmem>>) offsets(%dma_start3A_8 : memref<88xi32, #tpu.memory_space<vmem>>) semaphore(%arg7 : memref<!tpu.dma_semaphore, #tpu.memory_space<semaphore_mem>>)
    %dma_start3A_12 = arith.constant 1 : i32
    %dma_start3A_13 = arith.constant 88 : i32
    %dma_start3A_14 = arith.constant 0 : i32
    %dma_start3A_15 = tpu.memref_slice %arg6[%dma_start3A_13, %dma_start3A_14] : memref<264x128xf32, #tpu.memory_space<vmem>> -> memref<88x128xf32, #tpu.memory_space<vmem>>
    %dma_start3A_16 = arith.constant 0 : i32
    %dma_start3A_17 = tpu.memref_slice %arg5[%dma_start3A_12, %dma_start3A_16] : memref<3x88xi32, #tpu.memory_space<vmem>> -> memref<1x88xi32, #tpu.memory_space<vmem>>
    %dma_start3A_18 = tpu.memref_squeeze %dma_start3A_17 : memref<1x88xi32, #tpu.memory_space<vmem>> -> memref<88xi32, #tpu.memory_space<vmem>>
    %dma_start3A_19 = arith.constant 0 : i32
    %dma_start3A_20 = arith.constant 0 : i32
    %dma_start3A_21 = tpu.memref_slice %arg2[%dma_start3A_19, %dma_start3A_20] : memref<1090x128xf32, #tpu.memory_space<hbm>> -> memref<1090x128xf32, #tpu.memory_space<hbm>>
    tpu.enqueue_indirect_dma source(%dma_start3A_21 : memref<1090x128xf32, #tpu.memory_space<hbm>>) target(%dma_start3A_15 : memref<88x128xf32, #tpu.memory_space<vmem>>) offsets(%dma_start3A_18 : memref<88xi32, #tpu.memory_space<vmem>>) semaphore(%arg7 : memref<!tpu.dma_semaphore, #tpu.memory_space<semaphore_mem>>)
    %dma_start3A_22 = arith.constant 2 : i32
    %dma_start3A_23 = arith.constant 176 : i32
    %dma_start3A_24 = arith.constant 0 : i32
    %dma_start3A_25 = tpu.memref_slice %arg6[%dma_start3A_23, %dma_start3A_24] : memref<264x128xf32, #tpu.memory_space<vmem>> -> memref<88x128xf32, #tpu.memory_space<vmem>>
    %dma_start3A_26 = arith.constant 0 : i32
    %dma_start3A_27 = tpu.memref_slice %arg5[%dma_start3A_22, %dma_start3A_26] : memref<3x88xi32, #tpu.memory_space<vmem>> -> memref<1x88xi32, #tpu.memory_space<vmem>>
    %dma_start3A_28 = tpu.memref_squeeze %dma_start3A_27 : memref<1x88xi32, #tpu.memory_space<vmem>> -> memref<88xi32, #tpu.memory_space<vmem>>
    %dma_start3A_29 = arith.constant 0 : i32
    %dma_start3A_30 = arith.constant 0 : i32
    %dma_start3A_31 = tpu.memref_slice %arg2[%dma_start3A_29, %dma_start3A_30] : memref<1090x128xf32, #tpu.memory_space<hbm>> -> memref<1090x128xf32, #tpu.memory_space<hbm>>
    tpu.enqueue_indirect_dma source(%dma_start3A_31 : memref<1090x128xf32, #tpu.memory_space<hbm>>) target(%dma_start3A_25 : memref<88x128xf32, #tpu.memory_space<vmem>>) offsets(%dma_start3A_28 : memref<88xi32, #tpu.memory_space<vmem>>) semaphore(%arg7 : memref<!tpu.dma_semaphore, #tpu.memory_space<semaphore_mem>>)
    %dma_wait3A = arith.constant 0 : i32
    %dma_wait3A_32 = arith.constant 0 : i32
    %dma_wait3A_33 = arith.constant 0 : i32
    %dma_wait3A_34 = tpu.memref_slice %arg6[%dma_wait3A_32, %dma_wait3A_33] : memref<264x128xf32, #tpu.memory_space<vmem>> -> memref<88x128xf32, #tpu.memory_space<vmem>>
    %dma_wait3A_35 = arith.constant 0 : i32
    %dma_wait3A_36 = tpu.memref_slice %arg5[%dma_wait3A, %dma_wait3A_35] : memref<3x88xi32, #tpu.memory_space<vmem>> -> memref<1x88xi32, #tpu.memory_space<vmem>>
    %dma_wait3A_37 = tpu.memref_squeeze %dma_wait3A_36 : memref<1x88xi32, #tpu.memory_space<vmem>> -> memref<88xi32, #tpu.memory_space<vmem>>
    %dma_wait3A_38 = arith.constant 0 : i32
    %dma_wait3A_39 = arith.constant 0 : i32
    %dma_wait3A_40 = tpu.memref_slice %arg2[%dma_wait3A_38, %dma_wait3A_39] : memref<1090x128xf32, #tpu.memory_space<hbm>> -> memref<1090x128xf32, #tpu.memory_space<hbm>>
    tpu.wait_indirect_dma semaphore(%arg7 : memref<!tpu.dma_semaphore, #tpu.memory_space<semaphore_mem>>) src(%dma_wait3A_40 : memref<1090x128xf32, #tpu.memory_space<hbm>>) dst(%dma_wait3A_34 : memref<88x128xf32, #tpu.memory_space<vmem>>)
    %dma_wait3A_41 = arith.constant 1 : i32
    %dma_wait3A_42 = arith.constant 88 : i32
    %dma_wait3A_43 = arith.constant 0 : i32
    %dma_wait3A_44 = tpu.memref_slice %arg6[%dma_wait3A_42, %dma_wait3A_43] : memref<264x128xf32, #tpu.memory_space<vmem>> -> memref<88x128xf32, #tpu.memory_space<vmem>>
    %dma_wait3A_45 = arith.constant 0 : i32
    %dma_wait3A_46 = tpu.memref_slice %arg5[%dma_wait3A_41, %dma_wait3A_45] : memref<3x88xi32, #tpu.memory_space<vmem>> -> memref<1x88xi32, #tpu.memory_space<vmem>>
    %dma_wait3A_47 = tpu.memref_squeeze %dma_wait3A_46 : memref<1x88xi32, #tpu.memory_space<vmem>> -> memref<88xi32, #tpu.memory_space<vmem>>
    %dma_wait3A_48 = arith.constant 0 : i32
    %dma_wait3A_49 = arith.constant 0 : i32
    %dma_wait3A_50 = tpu.memref_slice %arg2[%dma_wait3A_48, %dma_wait3A_49] : memref<1090x128xf32, #tpu.memory_space<hbm>> -> memref<1090x128xf32, #tpu.memory_space<hbm>>
    tpu.wait_indirect_dma semaphore(%arg7 : memref<!tpu.dma_semaphore, #tpu.memory_space<semaphore_mem>>) src(%dma_wait3A_50 : memref<1090x128xf32, #tpu.memory_space<hbm>>) dst(%dma_wait3A_44 : memref<88x128xf32, #tpu.memory_space<vmem>>)
    %dma_wait3A_51 = arith.constant 2 : i32
    %dma_wait3A_52 = arith.constant 176 : i32
    %dma_wait3A_53 = arith.constant 0 : i32
    %dma_wait3A_54 = tpu.memref_slice %arg6[%dma_wait3A_52, %dma_wait3A_53] : memref<264x128xf32, #tpu.memory_space<vmem>> -> memref<88x128xf32, #tpu.memory_space<vmem>>
    %dma_wait3A_55 = arith.constant 0 : i32
    %dma_wait3A_56 = tpu.memref_slice %arg5[%dma_wait3A_51, %dma_wait3A_55] : memref<3x88xi32, #tpu.memory_space<vmem>> -> memref<1x88xi32, #tpu.memory_space<vmem>>
    %dma_wait3A_57 = tpu.memref_squeeze %dma_wait3A_56 : memref<1x88xi32, #tpu.memory_space<vmem>> -> memref<88xi32, #tpu.memory_space<vmem>>
    %dma_wait3A_58 = arith.constant 0 : i32
    %dma_wait3A_59 = arith.constant 0 : i32
    %dma_wait3A_60 = tpu.memref_slice %arg2[%dma_wait3A_58, %dma_wait3A_59] : memref<1090x128xf32, #tpu.memory_space<hbm>> -> memref<1090x128xf32, #tpu.memory_space<hbm>>
    tpu.wait_indirect_dma semaphore(%arg7 : memref<!tpu.dma_semaphore, #tpu.memory_space<semaphore_mem>>) src(%dma_wait3A_60 : memref<1090x128xf32, #tpu.memory_space<hbm>>) dst(%dma_wait3A_54 : memref<88x128xf32, #tpu.memory_space<vmem>>)
    "tpu.region"() ({
      %run_scoped3A = tpu.sem_alloc : memref<!tpu.dma_semaphore, #tpu.memory_space<semaphore_mem>>
      %dma_start3A_61 = arith.constant 0 : i32
      %dma_start3A_62 = tpu.memref_slice %arg4[%mul3A_2, %dma_start3A_61] : memref<8448x128xf32, #tpu.memory_space<hbm>> -> memref<264x128xf32, #tpu.memory_space<hbm>>
      %dma_start3A_63 = arith.constant 0 : i32
      %dma_start3A_64 = tpu.memref_slice %arg4[%mul3A_2, %dma_start3A_63] : memref<8448x128xf32, #tpu.memory_space<hbm>> -> memref<264x128xf32, #tpu.memory_space<hbm>>
      tpu.enqueue_dma source(%arg6 : memref<264x128xf32, #tpu.memory_space<vmem>>) target(%dma_start3A_64 : memref<264x128xf32, #tpu.memory_space<hbm>>) target_semaphore(%run_scoped3A : memref<!tpu.dma_semaphore, #tpu.memory_space<semaphore_mem>>)
      %dma_wait3A_65 = arith.constant 0 : i32
      %dma_wait3A_66 = tpu.memref_slice %arg4[%mul3A_2, %dma_wait3A_65] : memref<8448x128xf32, #tpu.memory_space<hbm>> -> memref<264x128xf32, #tpu.memory_space<hbm>>
      %dma_wait3A_67 = arith.constant 0 : i32
      %dma_wait3A_68 = tpu.memref_slice %arg4[%mul3A_2, %dma_wait3A_67] : memref<8448x128xf32, #tpu.memory_space<hbm>> -> memref<264x128xf32, #tpu.memory_space<hbm>>
      tpu.wait_dma2 semaphore(%run_scoped3A : memref<!tpu.dma_semaphore, #tpu.memory_space<semaphore_mem>>) src(%arg6 : memref<264x128xf32, #tpu.memory_space<vmem>>) dst(%dma_wait3A_68 : memref<264x128xf32, #tpu.memory_space<hbm>>)
      tpu.yield
    }) : () -> ()
    return
  }
}

module attributes {stable_mosaic.version = 14 : i64} {
  func.func @_add_body(%arg0: i32, %arg1: memref<32x768xf32, #tpu.memory_space<vmem>>, %arg2: memref<32x64x768xf32, #tpu.memory_space<vmem>>, %arg3: memref<32x64x768xf32, #tpu.memory_space<vmem>>) attributes {dimension_semantics = [#tpu.dimension_semantics<arbitrary>], iteration_bounds = array<i64: 33>, scalar_prefetch = 0 : i64, scratch_operands = 0 : i64, tpu.core_type = #tpu.core_type<tc>, window_params = [{transform_indices = @transform_0, window_bounds = array<i64: 32, 768>}, {transform_indices = @transform_1, window_bounds = array<i64: 32, 64, 768>}, {transform_indices = @transform_2, window_bounds = array<i64: 32, 64, 768>}]} {
    %get3A = arith.constant 0 : index
    %get3A_0 = arith.constant 0 : index
    %get3A_1 = arith.constant 0 : index
    %get3A_2 = vector.load %arg2[%get3A, %get3A_0, %get3A_1] : memref<32x64x768xf32, #tpu.memory_space<vmem>>, vector<32x64x768xf32>
    %get3A_3 = arith.constant 0 : index
    %get3A_4 = arith.constant 0 : index
    %get3A_5 = vector.load %arg1[%get3A_3, %get3A_4] : memref<32x768xf32, #tpu.memory_space<vmem>>, vector<32x768xf32>
    %broadcast_in_dim3A = vector.shape_cast %get3A_5 : vector<32x768xf32> to vector<32x1x768xf32>
    %add3A = vector.broadcast %broadcast_in_dim3A : vector<32x1x768xf32> to vector<32x64x768xf32>
    %add3A_6 = arith.addf %get3A_2, %add3A : vector<32x64x768xf32>
    %swap3A = arith.constant 0 : index
    %swap3A_7 = arith.constant 0 : index
    %swap3A_8 = arith.constant 0 : index
    %swap3A_9 = vector.load %arg3[%swap3A, %swap3A_7, %swap3A_8] : memref<32x64x768xf32, #tpu.memory_space<vmem>>, vector<32x64x768xf32>
    tpu.vector_store %arg3[%swap3A, %swap3A_7, %swap3A_8], %add3A_6 {strides = array<i32>} : memref<32x64x768xf32, #tpu.memory_space<vmem>>, vector<32x64x768xf32>,
    return
  }
  func.func @transform_0(%arg0: i32) -> (i32, i32) {
    %c0_i32 = arith.constant 0 : i32
    %c0_i32_0 = arith.constant 0 : i32
    return %arg0, %c0_i32 : i32, i32
  }
  func.func @transform_1(%arg0: i32) -> (i32, i32, i32) {
    %c0_i32 = arith.constant 0 : i32
    %c0_i32_0 = arith.constant 0 : i32
    %c0_i32_1 = arith.constant 0 : i32
    return %arg0, %c0_i32, %c0_i32_0 : i32, i32, i32
  }
  func.func @transform_2(%arg0: i32) -> (i32, i32, i32) {
    %c0_i32 = arith.constant 0 : i32
    %c0_i32_0 = arith.constant 0 : i32
    %c0_i32_1 = arith.constant 0 : i32
    return %arg0, %c0_i32, %c0_i32_0 : i32, i32, i32
  }
}

</mosaic_0001>

<sc_bundles>
// kernel: kernel.4.cloned.1.call-start
scs
__scs_entry_jumppad:
0x0: {  	(pc) =	sbr.rel $0x88, $3  }
0x1: {  	(tag) =	ssettag $0x0;
	lr =	simm.s32 $0x1  }
0x2: {  	[smem:$0x3F9E] =	sst lr;
	_ =	strace $0xD0000000  }
0x3: {  	_ = 	snop  }
0x4: {  	_ = 	snop  }
0x5: {  	_ = 	snop  }
0x6: {  	_ = 	snop  }
0x7: {  	_ = 	snop  }
__scs_overlays_trampoline_lowered:
0x8: {  	[smem:$0x3FAD] =	sst s0  }
0x9: {  	[smem:$0x3FAE] =	sst s1  }
0xa: {  	[smem:$0x3FAF] =	sst s2  }
0xb: {  	[smem:$0x3FB0] =	sst s3  }
0xc: {  	[smem:$0x3FB1] =	sst s4  }
0xd: {  	[smem:$0x3FB2] =	sst s5  }
0xe: {  	[smem:$0x3FB3] =	sst s6  }
0xf: {  	[smem:$0x3FB4] =	sst s7  }
0x10: {  	[smem:$0x3FB5] =	sst s8  }
0x11: {  	[smem:$0x3FB6] =	sst s9;
	s0 =	simm.s32 @!p0 $0x0  }
0x12: {  	s1 =	sld [smem:$0x3F9C];
	s0 =	simm.s32 @p0 $0x1  }
0x13: {  	[smem:$0x3FB7] =	sst s0;
	s0 =	simm.s32 @!p1 $0x0  }
0x14: {  	s2 =	sld [smem:$0x3F9B];
	s0 =	simm.s32 @p1 $0x1  }
0x15: {  	[smem:$0x3FB8] =	sst s0;
	s0 =	simm.s32 @!p2 $0x0  }
0x16: {  	s3 =	sld [smem:$0x3FDB];
	s0 =	simm.s32 @p2 $0x1  }
0x17: {  	s4 =	simm.s32 $0x1BF5;
	[smem:$0x3FBA] =	sst s0  }
0x18: {  	s0 =	sld [smem:$0x3F9D];
	_ =	swait.ge [sflag:s4], $0x0  }
0x19: {  	s7 =	sld [smem:$0x3F9E]  }
0x1a: {  	s8 =	sadd.s32 $0xFFFFE003, lr  }
0x1b: {  	s9 =	sadd.s32 $0xFFFFFEF7, lr;
	s5 =	simm.s32 $0xFFFFFFFF;
	p2 =	slt.u32 s8, $0xFFFFF086  }
0x1c: {  	p1 =	slt.u32 s9, $0xF7A;
	s5 =	simm.s32 @!p2 $0x0  }
0x1d: {  	s5 =	simm.s32 @p1 $0x1;
	p0 =	seq.s32 s7, s2  }
0x1e: {  	s7 =	smul.u32 @!p0 $0xF7A, s2;
	p2 =	seq.s32 @!p0 s5, $0x0  }
0x1f: {  	s9 =	smul.u32 $0xF7A, s1;
	s8 =	simm.s32 @!p0 $0x1BF5;
	p2 =	por !p2, p0  }
0x20: {  	[sflag:s8] =	ssyncset.s32 @!p0 $0xFFFFF086;
	s6 =	sadd.s32 @!p0 s3, s7;
	s7 =	simm.s32 @!p0 $0x108  }
0x21: {  	s3 =	sadd.s32 s3, s9;
	s6 =	sadd.s32 @!p0 $0x88, s6;
	s7 =	simm.s32 @p2 $0x1082  }
0x22: {  	[simem:s7], [sflag:s8] =	dma.local @!p0 [hbm:s6], $0xF7A  }
0x23: {  	s9 =	sor.u32 $0xD0000000, s2;
	s6 =	simm.s32 $0x108;
	_ =	swait.ge @!p0 [sflag:s8], $0x0  }
0x24: {  	s3 =	sadd.s32 $0x88, s3;
	s6 =	simm.s32 @!p1 $0x1082;
	[sflag:s4] =	ssyncset.s32 $0xFFFFF086  }
0x25: {  	[simem:s6], [sflag:s4] =	dma.local [hbm:s3], $0xF7A  }
0x26: {  	[smem:$0x3F9E] =	sst s1;
	(tag) =	ssettag s2;
	_ =	strace s9  }
0x27: {  	s1 =	sld [smem:$0x3FAE]  }
0x28: {  	s2 =	sld [smem:$0x3FAF]  }
0x29: {  	s4 =	sld [smem:$0x3FB1]  }
0x2a: {  	p0 =	seq.s32 s5, $0x0;
	s5 =	sld [smem:$0x3FB2]  }
0x2b: {  	s6 =	sld [smem:$0x3FB3]  }
0x2c: {  	s7 =	sld [smem:$0x3FB4]  }
0x2d: {  	s3 =	simm.s32 $0x108;
	s8 =	sld [smem:$0x3FB5]  }
0x2e: {  	s3 =	simm.s32 @!p0 $0x1082;
	s9 =	sld [smem:$0x3FB6]  }
0x2f: {  	lr =	sadd.s32 s0, s3;
	s0 =	sld [smem:$0x3FAD]  }
0x30: {  	s3 =	sld [smem:$0x3FB0]  }
0x31: {  	[smem:$0x3FB9] =	sst s10  }
0x32: {  	s10 =	sld [smem:$0x3FB7];
	_ =	sdelay $0x3  }
0x33: {  	p0 =	seq.s32 s10, $0x1;
	s10 =	sld [smem:$0x3FB9];
	_ =	sdelay $0x3  }
0x34: {  	[smem:$0x3FB9] =	sst s10  }
0x35: {  	s10 =	sld [smem:$0x3FB8];
	_ =	sdelay $0x3  }
0x36: {  	p1 =	seq.s32 s10, $0x1;
	s10 =	sld [smem:$0x3FB9];
	_ =	sdelay $0x3  }
0x37: {  	[smem:$0x3FB9] =	sst s10  }
0x38: {  	s10 =	sld [smem:$0x3FBA]  }
0x39: {  	_ = 	snop;
	(pc) =	sbr.ind lr, $3  }
0x3a: {  	_ = 	snop  }
0x3b: {  	_ = 	snop  }
0x3c: {  	p2 =	seq.s32 s10, $0x1;
	s10 =	sld [smem:$0x3FB9]  }
0x3d: {  	_ =	shalt  }
0x3e: {  	_ =	shalt  }
0x3f: {  	_ =	shalt  }
0x40: {  	_ =	shalt  }
0x41: {  	_ =	shalt  }
0x42: {  	_ =	shalt  }
0x43: {  	_ =	shalt  }
0x44: {  	_ =	shalt  }
0x45: {  	_ =	shalt  }
0x46: {  	_ =	shalt  }
0x47: {  	_ =	shalt  }
0x48: {  	_ =	shalt  }
0x49: {  	_ =	shalt  }
0x4a: {  	_ =	shalt  }
0x4b: {  	_ =	shalt  }
0x4c: {  	_ =	shalt  }
0x4d: {  	_ =	shalt  }
0x4e: {  	_ =	shalt  }
0x4f: {  	_ =	shalt  }
0x50: {  	_ =	shalt  }
0x51: {  	_ =	shalt  }
0x52: {  	_ =	shalt  }
0x53: {  	_ =	shalt  }
0x54: {  	_ =	shalt  }
0x55: {  	_ =	shalt  }
0x56: {  	_ =	shalt  }
0x57: {  	_ =	shalt  }
0x58: {  	_ =	shalt  }
0x59: {  	_ =	shalt  }
0x5a: {  	_ =	shalt  }
0x5b: {  	_ =	shalt  }
0x5c: {  	_ =	shalt  }
0x5d: {  	_ =	shalt  }
0x5e: {  	_ =	shalt  }
0x5f: {  	_ =	shalt  }
0x60: {  	_ =	shalt  }
0x61: {  	_ =	shalt  }
0x62: {  	_ =	shalt  }
0x63: {  	_ =	shalt  }
0x64: {  	_ =	shalt  }
0x65: {  	_ =	shalt  }
0x66: {  	_ =	shalt  }
0x67: {  	_ =	shalt  }
0x68: {  	_ =	shalt  }
0x69: {  	_ =	shalt  }
0x6a: {  	_ =	shalt  }
0x6b: {  	_ =	shalt  }
0x6c: {  	_ =	shalt  }
0x6d: {  	_ =	shalt  }
0x6e: {  	_ =	shalt  }
0x6f: {  	_ =	shalt  }
0x70: {  	_ =	shalt  }
0x71: {  	_ =	shalt  }
0x72: {  	_ =	shalt  }
0x73: {  	_ =	shalt  }
0x74: {  	_ =	shalt  }
0x75: {  	_ =	shalt  }
0x76: {  	_ =	shalt  }
0x77: {  	_ =	shalt  }
0x78: {  	_ =	shalt  }
0x79: {  	_ =	shalt  }
0x7a: {  	_ =	shalt  }
0x7b: {  	_ =	shalt  }
0x7c: {  	_ =	shalt  }
0x7d: {  	_ =	shalt  }
0x7e: {  	_ =	shalt  }
0x7f: {  	_ =	shalt  }
0x80: {  	_ =	shalt  }
0x81: {  	_ =	shalt  }
0x82: {  	_ =	shalt  }
0x83: {  	_ =	shalt  }
0x84: {  	_ =	shalt  }
0x85: {  	_ =	shalt  }
0x86: {  	_ =	shalt  }
0x87: {  	_ =	shalt  }
.Lfunc_end0:
.L_simem_size_0:
called_computation_lowered:
.L_overlay_start_0:
0x88: {  	s2 =	sld [smem:$0x3FD9]  }
0x89: {  	s3 =	sld [smem:$0x3FFE];
	_ =	sdelay $0x1  }
0x8a: {  	s1 =	srdreg.scid  }
0x8b: {  	s0 =	sand.u32 $0x1, s1  }
0x8c: {  	s17 =	sshll.u32 s0, $0xA;
	s2 =	sadd.s32 s3, s2  }
0x8d: {  	s2 =	sadd.s32 s2, s17  }
0x8e: {  	[smem:$0x3FC5] =	sst s2  }
0x8f: {  	_ = 	snop  }
0x90: {  	s2 =	sld [smem:$0x3FD0];
	(tm) =	ssettm $0x1  }
0x91: {  	s18 =	sld [smem:$0x3FFB];
	_ =	sdelay $0x3  }
0x92: {  	_ =	strace s18  }
0x93: {  	s3 =	sld [smem:$0x3FFC];
	_ =	sdelay $0x3  }
0x94: {  	_ =	strace s3  }
0x95: {  	s3 =	sld [smem:$0x3FFD];
	_ =	sdelay $0x3  }
0x96: {  	_ =	strace s3  }
0x97: {  	_ =	strace $0x8FFFFFFF  }
0x98: {  	s19 =	sld [smem:$0x3FDB];
	_ =	sdelay $0x1  }
0x99: {  	s4 =	simm.s32 $_scs_section_size  }
0x9a: {  	s5 =	simm.s32 $_size__tile_overlayer_lowered;
	s6 =	simm.s32 $_tile_overlayer_lowered  }
0x9b: {  	s22 =	simm.s32 $0x1BFF;
	s21 =	sshll.u32 s6, $0x1;
	s3 =	sadd.s32 s4, s19  }
0x9c: {  	s7 =	simm.s32 $0x0;
	s20 =	sshll.u32 s5, $0x1;
	s5 =	sadd.s32 s21, s3  }
0x9d: {  	[timem:s7], [sflag:s22] =	dma.local [hbm:s5], s20  }
0x9e: {  	_ =	swait.ge [sflag:s22], s20  }
0x9f: {  	s4 =	ssub.s32 $0x0, s20;
	[sflag:s22] =	ssyncset.done $0x0  }
0xa0: {  	[sflag:s22] =	ssyncadd.s32 s4;
	_ =	sdelay $0x1  }
0xa1: {  	s23 =	simm.s32 $0x1B8B  }
0xa2: {  	_ =	swait.ge [sflag:s23], $0x1  }
0xa3: {  	[sflag:s23] =	ssyncset.done $0x0  }
0xa4: {  	s25 =	simm.s32 $0x1B8E;
	s24 =	sld [smem:$0x3FFE];
	[sflag:s23] =	ssyncadd.s32 $0xFFFFFFFF  }
0xa5: {  	s26 =	simm.s32 $execute0_lowered;
	[smem:$0x3FD2] =	sst s25  }
0xa6: {  	s5 =	sshll.u32 s26, $0x1;
	_ =	strace $0x80000046;
	[dreg:$0x1] =	wrdreg $0xFFFFFFFF  }
0xa7: {  	s28 =	simm.s32 $_size_execute0_lowered;
	s3 =	sadd.s32 s3, s5;
	[dreg:$0x0] =	wrdreg $0x0  }
0xa8: {  	s5 =	sshll.u32 s28, $0x1;
	[dreg:$0x2] =	wrdreg s3  }
0xa9: {  	[dreg:$0x3] =	wrdreg s5  }
0xaa: {  	[dreg:$0x4] =	wrdreg $0xC0  }
0xab: {  	_ =	task [dreg:s7], $0x5FFFF  }
0xac: {  	[dreg:$0x1] =	wrdreg $0xFFFFFFFF  }
0xad: {  	[dreg:$0x0] =	wrdreg $0x60  }
0xae: {  	[dreg:$0x2] =	wrdreg s24  }
0xaf: {  	[dreg:$0x3] =	wrdreg s2  }
0xb0: {  	[dreg:$0x4] =	wrdreg $0x9  }
0xb1: {  	_ =	task.clear_ibuf [dreg:s7], $0x5FFFF;
	_ =	strace $0x90000046  }
0xb2: {  	s29 =	simm.s32 $0x9;
	_ =	strace $0x80000048  }
0xb3: {  	_ =	swait.ge [sflag:s29], $0x1  }
0xb4: {  	[sflag:s29] =	ssyncadd.s32 $0xFFFFFFFF  }
0xb5: {  	_ =	strace $0x90000048  }
0xb6: {  	_ =	sfence  }
0xb7: {  	s30 =	sld [smem:$0x0];
	_ =	sdelay $0x2  }
0xb8: {  	s31 =	sshll.u32 s1, $0xD;
	s1 =	sshrl.u32 s1, $0x2  }
0xb9: {  	s3 =	sand.u32 $0x4000, s31;
	s1 =	sadd.s32 s1, s30  }
0xba: {  	s0 =	sor.u32 s3, s0;
	s1 =	sshll.u32 s1, $0x11  }
0xbb: {  	s0 =	sor.u32 s1, s0  }
0xbc: {  	s0 =	sadd.s32 $0x8F2B, s0  }
0xbd: {  	[sflag:s0] =	ssyncadd.remote.s32 $0x1  }
0xbe: {  	_ =	sfence.sel $0xFFFF  }
0xbf: {  	[dreg:$0x0] =	wrdreg $0xFFFFFFFF;
	(pc) =	sbr.abs _section_cstart, $3  }
0xc0: {  	[dreg:$0x1] =	wrdreg $0xFFFFFFFF  }
0xc1: {  	_ =	task.clear_ibuf [dreg:s7], $0x2FFFF;
	_ =	strace $0x9FFFFFFF  }
0xc2: {  	(tm) =	ssettm $0x7FFFFFFF  }
0xc3: {  	_ =	shalt  }
tec
execute0_lowered:
.L_overlay_start_1:
0x0: {  	(tag) =	ssettag $0x1  }
0x1: {  	s1 =	srdreg.scid;
	s0 =	stileid.u32  }
0x2: {  	s5 =	rddreg [dreg:$0x0];
	s13 =	sand.u32 $0x1, s1;
	s30 =	sshll.u32 s0, $0x1  }
0x3: {  	s14 =	rddreg [dreg:$0x1];
	s15 =	sor.u32 s13, s30  }
0x4: {  	s2 =	simm.s32 $0x0;
	s1 =	rddreg [dreg:$0x2];
	s3 =	sshll.u32 s15, $0x6  }
0x5: {  	[smem:$0x7FF] =	sst s2;
	s3 =	sadd.s32 s3, s5  }
0x6: {  	_ =	strace $0x80000047;
	s4 =	sadd.s32 $0x4A00, s3;
	s3 =	simm.s32 $0x2  }
0x7: {  	[tilespmem:s2], [sflag:$0x2] =	stream.linear.gather [hbm4b:s4+s2], $0x180, $0x38;
	[tilespmem:$0x8600] =	vst v63  }
0x8: {  	_ =	swait.ge [sflag:s3], $0x180  }
0x9: {  	s6 =	simm.s32 $0x58;
	[sflag:s3] =	ssyncset.done $0x0  }
0xa: {  	s7 =	simm.s32 $0x200;
	s5 =	sadd.s32 $0x400, s5;
	[sflag:s3] =	ssyncadd.s32 $0xFFFFFE80  }
0xb: {  	[tilespmem:s7], [sflag:$0x1] =	stream.indirect.gather [hbm4b:s5+s6], $0x80, s2, s6, $0xb8;
	[tilespmem:$0x8600] =	vst v63  }
0xc: {  	s8 =	simm.s32 $0x80;
	s9 =	simm.s32 $0x2E00  }
0xd: {  	[tilespmem:s9], [sflag:$0x1] =	stream.indirect.gather [hbm4b:s5+s6], $0x80, s8, s6, $0xb8;
	[tilespmem:$0x8600] =	vst v63  }
0xe: {  	s10 =	simm.s32 $0x100;
	s11 =	simm.s32 $0x5A00;
	s12 =	simm.s32 $0x1  }
0xf: {  	[tilespmem:s11], [sflag:$0x1] =	stream.indirect.gather [hbm4b:s5+s6], $0x80, s10, s6, $0xb8;
	[tilespmem:$0x8600] =	vst v63  }
0x10: {  	_ =	swait.ge [sflag:s12], $0x2C00  }
0x11: {  	[sflag:s12] =	ssyncset.done $0x0  }
0x12: {  	s13 =	ssub.s32 $0x2, s13;
	[sflag:s12] =	ssyncadd.s32 $0xFFFFD400  }
0x13: {  	s16 =	sshrl.u32 s13, $0x1;
	_ =	swait.ge [sflag:s12], $0x2C00  }
0x14: {  	s16 =	ssub.s32 s13, s16;
	[sflag:s12] =	ssyncset.done $0x0  }
0x15: {  	s31 =	smax.u32 s16, $0x1;
	[sflag:s12] =	ssyncadd.s32 $0xFFFFD400  }
0x16: {  	s15 =	smul.u32 $0x1080, s15;
	p0 =	sne.s32 s31, $0x1;
	_ =	swait.ge [sflag:s12], $0x2C00  }
.Ltmp0:
0x17: {  	[sflag:s12] =	ssyncset.done $0x0;
	(pc) =	sbr.rel @!p0 .LBB2_2-.Ltmp0, $4  }
0x18: {  	s13 =	sadd.s32 s14, s15;
	[sflag:s12] =	ssyncadd.s32 $0xFFFFD400  }
0x19: {  	[hbm4b:s13+s2] =	stream.linear.scatter [tilespmem:s7], [sflag:$0x2], $0x8400, $0x38;
	[tilespmem:$0x8600] =	vst v63  }
0x1a: {  	_ =	swait.ge [sflag:s3], $0x8400  }
0x1b: {  	s14 =	sadd.s32 $0xFFFFFFFF, s31;
	[sflag:s3] =	ssyncset.done $0x0  }
.LBB2_1:
0x1c: {  	p0 =	sne.s32 s14, $0x1;
	s14 =	sadd.s32 $0xFFFFFFFF, s14;
	[sflag:s3] =	ssyncadd.s32 $0xFFFF7C00  }
0x1d: {  	[tilespmem:s2], [sflag:$0x2] =	stream.linear.gather [hbm4b:s4+s2], $0x180, $0x38;
	[tilespmem:$0x8600] =	vst v63  }
0x1e: {  	_ =	swait.ge [sflag:s3], $0x180  }
0x1f: {  	[sflag:s3] =	ssyncset.done $0x0  }
0x20: {  	[sflag:s3] =	ssyncadd.s32 $0xFFFFFE80  }
0x21: {  	[tilespmem:s7], [sflag:$0x1] =	stream.indirect.gather [hbm4b:s5+s6], $0x80, s2, s6, $0xb8;
	[tilespmem:$0x8600] =	vst v63  }
0x22: {  	_ = 	snop  }
0x23: {  	[tilespmem:s9], [sflag:$0x1] =	stream.indirect.gather [hbm4b:s5+s6], $0x80, s8, s6, $0xb8;
	[tilespmem:$0x8600] =	vst v63  }
0x24: {  	_ = 	snop  }
0x25: {  	[tilespmem:s11], [sflag:$0x1] =	stream.indirect.gather [hbm4b:s5+s6], $0x80, s10, s6, $0xb8;
	[tilespmem:$0x8600] =	vst v63  }
0x26: {  	_ =	swait.ge [sflag:s12], $0x2C00  }
0x27: {  	[sflag:s12] =	ssyncset.done $0x0  }
0x28: {  	[sflag:s12] =	ssyncadd.s32 $0xFFFFD400  }
0x29: {  	_ =	swait.ge [sflag:s12], $0x2C00  }
0x2a: {  	[sflag:s12] =	ssyncset.done $0x0  }
0x2b: {  	[sflag:s12] =	ssyncadd.s32 $0xFFFFD400  }
0x2c: {  	_ =	swait.ge [sflag:s12], $0x2C00  }
.Ltmp1:
0x2d: {  	[sflag:s12] =	ssyncset.done $0x0;
	(pc) =	sbr.rel @p0 .LBB2_1-.Ltmp1, $4  }
0x2e: {  	[sflag:s12] =	ssyncadd.s32 $0xFFFFD400  }
0x2f: {  	[hbm4b:s13+s2] =	stream.linear.scatter [tilespmem:s7], [sflag:$0x2], $0x8400, $0x38;
	[tilespmem:$0x8600] =	vst v63  }
0x30: {  	_ =	swait.ge [sflag:s3], $0x8400  }
0x31: {  	[sflag:s3] =	ssyncset.done $0x0  }
.LBB2_2:
0x32: {  	[sflag:s3] =	ssyncadd.s32 $0xFFFF7C00  }
0x33: {  	_ =	sfence.sel $0x180000  }
0x34: {  	[bflag:$0x0] =	sbarrier.arrive $0xFFFF  }
0x35: {  	p0 =	sne.s32 s0, $0x0;
	_ =	strace $0x90000047  }
0x36: {  	s0 =	sadd.s32 @!p0 $0x100000, s1;
	[bflag:$0x2] =	sbarrier.arrive $0xFFFF  }
0x37: {  	[sflag:s0] =	ssyncadd.tile.s32 @!p0 $0x1;
	_ =	shalt  }
.Lfunc_end2:
_tile_overlayer_lowered:
.L_overlay_start_2:
0x38: {  	(tag) =	ssettag $0x2  }
0x39: {  	s0 =	rddreg [dreg:$0x0];
	s2 =	stileid.u32  }
0x3a: {  	s1 =	rddreg [dreg:$0x1];
	p0 =	sne.s32 s2, $0x0  }
0x3b: {  	s3 =	rddreg [dreg:$0x2];
	[bflag:$0x3] =	sbarrier.arrive $0xFFFF;
	s2 =	simm.s32 @!p0 $0x1C02  }
0x3c: {  	[timem:s3], [sflag:s2] =	dma.local @!p0 [hbm:s0], s1  }
0x3d: {  	s0 =	simm.s32 @!p0 $0x2  }
0x3e: {  	_ =	swait.ge @!p0 [sflag:s0], s1  }
0x3f: {  	s1 =	ssub.s32 @!p0 $0x0, s1;
	[sflag:s0] =	ssyncset.done @!p0 $0x0  }
0x40: {  	[sflag:s0] =	ssyncadd.s32 @!p0 s1  }
0x41: {  	[bflag:$0x3] =	sbarrier.arrive $0xFFFF  }
0x42: {  	_ =	shalt  }

</sc_bundles>
